<compile_context>
chip_gen: v7x
topology: tpu7x:2x2x1
jax: 0.10.2.dev20260603
libtpu: 0.0.44.dev20260713+nightly
codegen_flags: <defaults>
</compile_context>

<pallas_src>
import functools

import jax
import jax.numpy as jnp
from jax import lax
from jax.experimental import pallas as pl
from jax.experimental.pallas import tpu as pltpu, tpu_sc as plsc

B, T_PH, T_W = 16, 2048, 1024
EPS = 1e-05
L = 16
H = T_PH // 2
W_PAD = 1152
MAGIC = 12582912.0
MAGIC_BITS = 0x4B400000


def _body(ph_hbm, idx_hbm, wdp_hbm, out_hbm,
          ph_v, idx_v, wdp_v, seg_v, out_v, sem_ph, sem_ix, sem_wd):
    row = lax.axis_index("s")
    half = lax.axis_index("c")
    base = half * H

    cp_ph = pltpu.async_copy(ph_hbm.at[row], ph_v, sem_ph)
    cp_ix = pltpu.async_copy(idx_hbm.at[row], idx_v, sem_ix)
    cp_wd = pltpu.async_copy(wdp_hbm.at[row], wdp_v, sem_wd)

    zeros = jnp.zeros((L,), jnp.float32)

    @plsc.parallel_loop(0, W_PAD // L, unroll=8)
    def _(i):
        seg_v[pl.ds(i * L, L)] = zeros

    cp_ix.wait()
    cp_ph.wait()

    @plsc.parallel_loop(0, T_PH // L, unroll=8)
    def _(i):
        idx = idx_v[pl.ds(i * L, L)]
        vals = ph_v[pl.ds(i * L, L)]
        plsc.addupdate_scatter(seg_v, [idx], vals)

    cp_wd.wait()

    @plsc.parallel_loop(0, H // L, unroll=8)
    def _(i):
        off = base + i * L
        idx = idx_v[pl.ds(off, L)]
        vals = ph_v[pl.ds(off, L)]
        s = plsc.load_gather(seg_v, [idx])
        w = plsc.load_gather(wdp_v, [idx])
        x = vals * (w / jnp.maximum(s, EPS))
        y = x + MAGIC
        out_v[pl.ds(i * L, L)] = plsc.bitcast(y, jnp.int32) - MAGIC_BITS

    pltpu.sync_copy(out_v, out_hbm.at[row, pl.ds(base, H)])


@jax.jit
def _regulate(ph_dur, ph2word_i32, word_dur):
    mesh = plsc.VectorSubcoreMesh(core_axis_name="c", subcore_axis_name="s")
    f = functools.partial(
        pl.kernel,
        out_type=jax.ShapeDtypeStruct((B, T_PH), jnp.int32),
        mesh=mesh,
        compiler_params=pltpu.CompilerParams(needs_layout_passes=False),
        scratch_types=[
            pltpu.VMEM((T_PH,), jnp.float32),
            pltpu.VMEM((T_PH,), jnp.int32),
            pltpu.VMEM((W_PAD,), jnp.float32),
            pltpu.VMEM((W_PAD,), jnp.float32),
            pltpu.VMEM((H,), jnp.int32),
            pltpu.SemaphoreType.DMA,
            pltpu.SemaphoreType.DMA,
            pltpu.SemaphoreType.DMA,
        ],
    )(_body)
    wd_padded = jnp.pad(word_dur, ((0, 0), (1, W_PAD - 1 - T_W)))
    return f(ph_dur, ph2word_i32, wd_padded)


def kernel(ph_dur, ph2word, word_dur):
    out = _regulate(ph_dur.astype(jnp.float32), ph2word.astype(jnp.int32),
                    word_dur.astype(jnp.float32))
    return out.astype(jnp.int64)

# --- scband reference (transcript-rebuilt; emitter-appended) ---
"""Pipeline reference for scband-rhythm-regulator-53858889892058 (READ-ONLY COPY).

The authoritative reference and input builder live on the scoring server;
editing this copy changes nothing except your own understanding.
"""

import jax, jax.numpy as jnp
import numpy as np

B, T_PH, T_W = 16, 2048, 1024
EPS = 1e-05

def setup_inputs(seed: int = 0) -> dict:
    key = jax.random.key(seed)
    k1, k2, k3 = jax.random.split(key, 3)
    ph_dur = jax.random.uniform(k1, (B, T_PH), dtype=jnp.float32) * 10.0
    # word indices: 0 = padding, 1..T_W valid, monotonically non-decreasing per row
    ph2word = jnp.sort(jax.random.randint(k2, (B, T_PH), 0, T_W + 1, dtype=jnp.int64), axis=-1)
    word_dur = jax.random.uniform(k3, (B, T_W), dtype=jnp.float32) * 10.0
    return {"ph_dur": ph_dur, "ph2word": ph2word, "word_dur": word_dur}

def reference(ph_dur, ph2word, word_dur):
    ph_dur = ph_dur.astype(jnp.float32) * (ph2word > 0).astype(jnp.float32)
    word_dur = word_dur.astype(jnp.float32)
    # scatter_add along dim 1 into [B, T_W+1], then drop padding column 0
    row_idx = jnp.arange(ph_dur.shape[0])[:, None]
    word_dur_in = jnp.zeros((ph_dur.shape[0], T_W + 1), jnp.float32)
    word_dur_in = word_dur_in.at[row_idx, ph2word].add(ph_dur)[:, 1:]
    alpha_w = word_dur / jnp.maximum(word_dur_in, EPS)
    # F.pad(alpha_w, [1, 0]) -> pad one column of zeros on the left
    alpha_w_padded = jnp.pad(alpha_w, ((0, 0), (1, 0)))
    # torch.gather(dim=1) -> take_along_axis
    alpha_ph = jnp.take_along_axis(alpha_w_padded, ph2word, axis=1)
    ph_dur_out = ph_dur * alpha_ph
    return jnp.round(ph_dur_out).astype(jnp.int64)

if __name__ == "__main__":
    import jax
    _d = setup_inputs()
    print(jax.jit(kernel)(*tuple(_d.values())))

</pallas_src>

<mosaic_0001>
#map = affine_map<(d0, d1) -> (0, 0)>
module attributes {stable_mosaic.version = 14 : i64} {
  func.func @_body(%arg0: i32, %arg1: i32, %arg2: memref<16x2048xf32, #tpu.memory_space<hbm>>, %arg3: memref<16x2048xi32, #tpu.memory_space<hbm>>, %arg4: memref<16x1152xf32, #tpu.memory_space<hbm>>, %arg5: memref<16x2048xi32, #tpu.memory_space<hbm>>, %arg6: memref<2048xf32, #tpu.memory_space<vmem>>, %arg7: memref<2048xi32, #tpu.memory_space<vmem>>, %arg8: memref<1152xf32, #tpu.memory_space<vmem>>, %arg9: memref<1152xf32, #tpu.memory_space<vmem>>, %arg10: memref<1024xi32, #tpu.memory_space<vmem>>, %arg11: memref<!tpu.dma_semaphore, #tpu.memory_space<semaphore_mem>>, %arg12: memref<!tpu.dma_semaphore, #tpu.memory_space<semaphore_mem>>, %arg13: memref<!tpu.dma_semaphore, #tpu.memory_space<semaphore_mem>>) attributes {dimension_semantics = [#tpu.dimension_semantics<core_parallel>, #tpu.dimension_semantics<subcore_parallel>], iteration_bounds = array<i64: 2, 16>, scalar_prefetch = 0 : i64, scratch_operands = 8 : i64, tpu.core_type = #tpu.core_type<sc_vector_subcore>, window_params = [{transform_indices = #map}, {transform_indices = #map}, {transform_indices = #map}, {transform_indices = #map}]} {
    %mul3A = arith.constant 1024 : i32
    %mul3A_0 = arith.muli %arg0, %mul3A : i32
    %dma_start3A = arith.constant 0 : i32
    %dma_start3A_1 = tpu.memref_slice %arg2[%arg1, %dma_start3A] : memref<16x2048xf32, #tpu.memory_space<hbm>> -> memref<1x2048xf32, #tpu.memory_space<hbm>>
    %dma_start3A_2 = tpu.memref_squeeze %dma_start3A_1 : memref<1x2048xf32, #tpu.memory_space<hbm>> -> memref<2048xf32, #tpu.memory_space<hbm>>
    %dma_start3A_3 = arith.constant 0 : i32
    %dma_start3A_4 = tpu.memref_slice %arg2[%arg1, %dma_start3A_3] : memref<16x2048xf32, #tpu.memory_space<hbm>> -> memref<1x2048xf32, #tpu.memory_space<hbm>>
    %dma_start3A_5 = tpu.memref_squeeze %dma_start3A_4 : memref<1x2048xf32, #tpu.memory_space<hbm>> -> memref<2048xf32, #tpu.memory_space<hbm>>
    tpu.enqueue_dma source(%dma_start3A_5 : memref<2048xf32, #tpu.memory_space<hbm>>) target(%arg6 : memref<2048xf32, #tpu.memory_space<vmem>>) target_semaphore(%arg11 : memref<!tpu.dma_semaphore, #tpu.memory_space<semaphore_mem>>)
    %dma_start3A_6 = arith.constant 0 : i32
    %dma_start3A_7 = tpu.memref_slice %arg3[%arg1, %dma_start3A_6] : memref<16x2048xi32, #tpu.memory_space<hbm>> -> memref<1x2048xi32, #tpu.memory_space<hbm>>
    %dma_start3A_8 = tpu.memref_squeeze %dma_start3A_7 : memref<1x2048xi32, #tpu.memory_space<hbm>> -> memref<2048xi32, #tpu.memory_space<hbm>>
    %dma_start3A_9 = arith.constant 0 : i32
    %dma_start3A_10 = tpu.memref_slice %arg3[%arg1, %dma_start3A_9] : memref<16x2048xi32, #tpu.memory_space<hbm>> -> memref<1x2048xi32, #tpu.memory_space<hbm>>
    %dma_start3A_11 = tpu.memref_squeeze %dma_start3A_10 : memref<1x2048xi32, #tpu.memory_space<hbm>> -> memref<2048xi32, #tpu.memory_space<hbm>>
    tpu.enqueue_dma source(%dma_start3A_11 : memref<2048xi32, #tpu.memory_space<hbm>>) target(%arg7 : memref<2048xi32, #tpu.memory_space<vmem>>) target_semaphore(%arg12 : memref<!tpu.dma_semaphore, #tpu.memory_space<semaphore_mem>>)
    %dma_start3A_12 = arith.constant 0 : i32
    %dma_start3A_13 = tpu.memref_slice %arg4[%arg1, %dma_start3A_12] : memref<16x1152xf32, #tpu.memory_space<hbm>> -> memref<1x1152xf32, #tpu.memory_space<hbm>>
    %dma_start3A_14 = tpu.memref_squeeze %dma_start3A_13 : memref<1x1152xf32, #tpu.memory_space<hbm>> -> memref<1152xf32, #tpu.memory_space<hbm>>
    %dma_start3A_15 = arith.constant 0 : i32
    %dma_start3A_16 = tpu.memref_slice %arg4[%arg1, %dma_start3A_15] : memref<16x1152xf32, #tpu.memory_space<hbm>> -> memref<1x1152xf32, #tpu.memory_space<hbm>>
    %dma_start3A_17 = tpu.memref_squeeze %dma_start3A_16 : memref<1x1152xf32, #tpu.memory_space<hbm>> -> memref<1152xf32, #tpu.memory_space<hbm>>
    tpu.enqueue_dma source(%dma_start3A_17 : memref<1152xf32, #tpu.memory_space<hbm>>) target(%arg8 : memref<1152xf32, #tpu.memory_space<vmem>>) target_semaphore(%arg13 : memref<!tpu.dma_semaphore, #tpu.memory_space<semaphore_mem>>)
    %broadcast_in_dim3A = arith.constant 0.000000e+00 : f32
    %broadcast_in_dim3A_18 = vector.broadcast %broadcast_in_dim3A : f32 to vector<16xf32>
    %parallel_loop3A = arith.constant 0 : i32
    %parallel_loop3A_19 = arith.constant 72 : i32
    %parallel_loop3A_20 = arith.constant 1 : i32
    scf.for %parallel_loop3A_44 = %parallel_loop3A to %parallel_loop3A_19 step %parallel_loop3A_20  : i32 {
      %parallel_loop3A_45 = arith.constant 16 : i32
      %parallel_loop3A_46 = arith.muli %parallel_loop3A_44, %parallel_loop3A_45 : i32
      %parallel_loop3A_47 = arith.index_cast %parallel_loop3A_46 : i32 to index
      %parallel_loop3A_48 = tpu.vector_load %arg9[%parallel_loop3A_47] {strides = array<i32>} : memref<1152xf32, #tpu.memory_space<vmem>>, vector<16xf32>,
      tpu.vector_store %arg9[%parallel_loop3A_47], %broadcast_in_dim3A_18 {strides = array<i32>} : memref<1152xf32, #tpu.memory_space<vmem>>, vector<16xf32>,
    } {sc.loop_unroll_factor = 8 : i64, sc.parallel_access}
    %dma_wait3A = arith.constant 0 : i32
    %dma_wait3A_21 = tpu.memref_slice %arg3[%arg1, %dma_wait3A] : memref<16x2048xi32, #tpu.memory_space<hbm>> -> memref<1x2048xi32, #tpu.memory_space<hbm>>
    %dma_wait3A_22 = tpu.memref_squeeze %dma_wait3A_21 : memref<1x2048xi32, #tpu.memory_space<hbm>> -> memref<2048xi32, #tpu.memory_space<hbm>>
    %dma_wait3A_23 = arith.constant 0 : i32
    %dma_wait3A_24 = tpu.memref_slice %arg3[%arg1, %dma_wait3A_23] : memref<16x2048xi32, #tpu.memory_space<hbm>> -> memref<1x2048xi32, #tpu.memory_space<hbm>>
    %dma_wait3A_25 = tpu.memref_squeeze %dma_wait3A_24 : memref<1x2048xi32, #tpu.memory_space<hbm>> -> memref<2048xi32, #tpu.memory_space<hbm>>
    tpu.wait_dma2 semaphore(%arg12 : memref<!tpu.dma_semaphore, #tpu.memory_space<semaphore_mem>>) src(%dma_wait3A_25 : memref<2048xi32, #tpu.memory_space<hbm>>) dst(%arg7 : memref<2048xi32, #tpu.memory_space<vmem>>)
    %dma_wait3A_26 = arith.constant 0 : i32
    %dma_wait3A_27 = tpu.memref_slice %arg2[%arg1, %dma_wait3A_26] : memref<16x2048xf32, #tpu.memory_space<hbm>> -> memref<1x2048xf32, #tpu.memory_space<hbm>>
    %dma_wait3A_28 = tpu.memref_squeeze %dma_wait3A_27 : memref<1x2048xf32, #tpu.memory_space<hbm>> -> memref<2048xf32, #tpu.memory_space<hbm>>
    %dma_wait3A_29 = arith.constant 0 : i32
    %dma_wait3A_30 = tpu.memref_slice %arg2[%arg1, %dma_wait3A_29] : memref<16x2048xf32, #tpu.memory_space<hbm>> -> memref<1x2048xf32, #tpu.memory_space<hbm>>
    %dma_wait3A_31 = tpu.memref_squeeze %dma_wait3A_30 : memref<1x2048xf32, #tpu.memory_space<hbm>> -> memref<2048xf32, #tpu.memory_space<hbm>>
    tpu.wait_dma2 semaphore(%arg11 : memref<!tpu.dma_semaphore, #tpu.memory_space<semaphore_mem>>) src(%dma_wait3A_31 : memref<2048xf32, #tpu.memory_space<hbm>>) dst(%arg6 : memref<2048xf32, #tpu.memory_space<vmem>>)
    %parallel_loop3A_32 = arith.constant 0 : i32
    %parallel_loop3A_33 = arith.constant 128 : i32
    %parallel_loop3A_34 = arith.constant 1 : i32
    scf.for %parallel_loop3A_44 = %parallel_loop3A_32 to %parallel_loop3A_33 step %parallel_loop3A_34  : i32 {
      %parallel_loop3A_45 = arith.constant 16 : i32
      %parallel_loop3A_46 = arith.muli %parallel_loop3A_44, %parallel_loop3A_45 : i32
      %parallel_loop3A_47 = arith.index_cast %parallel_loop3A_46 : i32 to index
      %parallel_loop3A_48 = tpu.vector_load %arg7[%parallel_loop3A_47] {strides = array<i32>} : memref<2048xi32, #tpu.memory_space<vmem>>, vector<16xi32>,
      %parallel_loop3A_49 = arith.constant 16 : i32
      %parallel_loop3A_50 = arith.muli %parallel_loop3A_44, %parallel_loop3A_49 : i32
      %parallel_loop3A_51 = arith.index_cast %parallel_loop3A_50 : i32 to index
      %parallel_loop3A_52 = tpu.vector_load %arg6[%parallel_loop3A_51] {strides = array<i32>} : memref<2048xf32, #tpu.memory_space<vmem>>, vector<16xf32>,
      tpu.vector_store_idx %arg9[%parallel_loop3A_48], %parallel_loop3A_52 {add = true} : memref<1152xf32, #tpu.memory_space<vmem>>[vector<16xi32>], vector<16xf32>,
    } {sc.loop_unroll_factor = 8 : i64, sc.parallel_access}
    %dma_wait3A_35 = arith.constant 0 : i32
    %dma_wait3A_36 = tpu.memref_slice %arg4[%arg1, %dma_wait3A_35] : memref<16x1152xf32, #tpu.memory_space<hbm>> -> memref<1x1152xf32, #tpu.memory_space<hbm>>
    %dma_wait3A_37 = tpu.memref_squeeze %dma_wait3A_36 : memref<1x1152xf32, #tpu.memory_space<hbm>> -> memref<1152xf32, #tpu.memory_space<hbm>>
    %dma_wait3A_38 = arith.constant 0 : i32
    %dma_wait3A_39 = tpu.memref_slice %arg4[%arg1, %dma_wait3A_38] : memref<16x1152xf32, #tpu.memory_space<hbm>> -> memref<1x1152xf32, #tpu.memory_space<hbm>>
    %dma_wait3A_40 = tpu.memref_squeeze %dma_wait3A_39 : memref<1x1152xf32, #tpu.memory_space<hbm>> -> memref<1152xf32, #tpu.memory_space<hbm>>
    tpu.wait_dma2 semaphore(%arg13 : memref<!tpu.dma_semaphore, #tpu.memory_space<semaphore_mem>>) src(%dma_wait3A_40 : memref<1152xf32, #tpu.memory_space<hbm>>) dst(%arg8 : memref<1152xf32, #tpu.memory_space<vmem>>)
    %parallel_loop3A_41 = arith.constant 0 : i32
    %parallel_loop3A_42 = arith.constant 64 : i32
    %parallel_loop3A_43 = arith.constant 1 : i32
    scf.for %parallel_loop3A_44 = %parallel_loop3A_41 to %parallel_loop3A_42 step %parallel_loop3A_43  : i32 {
      %parallel_loop3A_45 = arith.constant 16 : i32
      %parallel_loop3A_46 = arith.muli %parallel_loop3A_44, %parallel_loop3A_45 : i32
      %parallel_loop3A_47 = arith.addi %mul3A_0, %parallel_loop3A_46 : i32
      %parallel_loop3A_48 = arith.index_cast %parallel_loop3A_47 : i32 to index
      %parallel_loop3A_49 = tpu.vector_load %arg7[%parallel_loop3A_48] {strides = array<i32>} : memref<2048xi32, #tpu.memory_space<vmem>>, vector<16xi32>,
      %parallel_loop3A_50 = arith.index_cast %parallel_loop3A_47 : i32 to index
      %parallel_loop3A_51 = tpu.vector_load %arg6[%parallel_loop3A_50] {strides = array<i32>} : memref<2048xf32, #tpu.memory_space<vmem>>, vector<16xf32>,
      %parallel_loop3A_52 = tpu.vector_load_idx %arg9[%parallel_loop3A_49] : memref<1152xf32, #tpu.memory_space<vmem>>[vector<16xi32>], vector<16xf32>,
      %parallel_loop3A_53 = tpu.vector_load_idx %arg8[%parallel_loop3A_49] : memref<1152xf32, #tpu.memory_space<vmem>>[vector<16xi32>], vector<16xf32>,
      %parallel_loop3A_54 = arith.constant 9.99999974E-6 : f32
      %parallel_loop3A_55 = vector.broadcast %parallel_loop3A_54 : f32 to vector<16xf32>
      %parallel_loop3A_56 = arith.maximumf %parallel_loop3A_52, %parallel_loop3A_55 : vector<16xf32>
      %parallel_loop3A_57 = arith.divf %parallel_loop3A_53, %parallel_loop3A_56 : vector<16xf32>
      %parallel_loop3A_58 = arith.mulf %parallel_loop3A_51, %parallel_loop3A_57 : vector<16xf32>
      %parallel_loop3A_59 = arith.constant 0x4B400000 : f32
      %parallel_loop3A_60 = vector.broadcast %parallel_loop3A_59 : f32 to vector<16xf32>
      %parallel_loop3A_61 = arith.addf %parallel_loop3A_58, %parallel_loop3A_60 : vector<16xf32>
      %parallel_loop3A_62 = vector.bitcast %parallel_loop3A_61 : vector<16xf32> to vector<16xi32>
      %parallel_loop3A_63 = arith.constant 1262485504 : i32
      %parallel_loop3A_64 = vector.broadcast %parallel_loop3A_63 : i32 to vector<16xi32>
      %parallel_loop3A_65 = arith.subi %parallel_loop3A_62, %parallel_loop3A_64 : vector<16xi32>
      %parallel_loop3A_66 = arith.constant 16 : i32
      %parallel_loop3A_67 = arith.muli %parallel_loop3A_44, %parallel_loop3A_66 : i32
      %parallel_loop3A_68 = arith.index_cast %parallel_loop3A_67 : i32 to index
      %parallel_loop3A_69 = tpu.vector_load %arg10[%parallel_loop3A_68] {strides = array<i32>} : memref<1024xi32, #tpu.memory_space<vmem>>, vector<16xi32>,
      tpu.vector_store %arg10[%parallel_loop3A_68], %parallel_loop3A_65 {strides = array<i32>} : memref<1024xi32, #tpu.memory_space<vmem>>, vector<16xi32>,
    } {sc.loop_unroll_factor = 8 : i64, sc.parallel_access}
    "tpu.region"() ({
      %run_scoped3A = tpu.sem_alloc : memref<!tpu.dma_semaphore, #tpu.memory_space<semaphore_mem>>
      %dma_start3A_44 = tpu.memref_slice %arg5[%arg1, %mul3A_0] : memref<16x2048xi32, #tpu.memory_space<hbm>> -> memref<1x1024xi32, #tpu.memory_space<hbm>>
      %dma_start3A_45 = tpu.memref_squeeze %dma_start3A_44 : memref<1x1024xi32, #tpu.memory_space<hbm>> -> memref<1024xi32, #tpu.memory_space<hbm>>
      %dma_start3A_46 = tpu.memref_slice %arg5[%arg1, %mul3A_0] : memref<16x2048xi32, #tpu.memory_space<hbm>> -> memref<1x1024xi32, #tpu.memory_space<hbm>>
      %dma_start3A_47 = tpu.memref_squeeze %dma_start3A_46 : memref<1x1024xi32, #tpu.memory_space<hbm>> -> memref<1024xi32, #tpu.memory_space<hbm>>
      tpu.enqueue_dma source(%arg10 : memref<1024xi32, #tpu.memory_space<vmem>>) target(%dma_start3A_47 : memref<1024xi32, #tpu.memory_space<hbm>>) target_semaphore(%run_scoped3A : memref<!tpu.dma_semaphore, #tpu.memory_space<semaphore_mem>>)
      %dma_wait3A_48 = tpu.memref_slice %arg5[%arg1, %mul3A_0] : memref<16x2048xi32, #tpu.memory_space<hbm>> -> memref<1x1024xi32, #tpu.memory_space<hbm>>
      %dma_wait3A_49 = tpu.memref_squeeze %dma_wait3A_48 : memref<1x1024xi32, #tpu.memory_space<hbm>> -> memref<1024xi32, #tpu.memory_space<hbm>>
      %dma_wait3A_50 = tpu.memref_slice %arg5[%arg1, %mul3A_0] : memref<16x2048xi32, #tpu.memory_space<hbm>> -> memref<1x1024xi32, #tpu.memory_space<hbm>>
      %dma_wait3A_51 = tpu.memref_squeeze %dma_wait3A_50 : memref<1x1024xi32, #tpu.memory_space<hbm>> -> memref<1024xi32, #tpu.memory_space<hbm>>
      tpu.wait_dma2 semaphore(%run_scoped3A : memref<!tpu.dma_semaphore, #tpu.memory_space<semaphore_mem>>) src(%arg10 : memref<1024xi32, #tpu.memory_space<vmem>>) dst(%dma_wait3A_51 : memref<1024xi32, #tpu.memory_space<hbm>>)
      tpu.yield
    }) : () -> ()
    return
  }
}

</mosaic_0001>

<sc_bundles>
// kernel: _regulate.3.cloned.1.call-start
scs
__scs_entry_jumppad:
0x0: {  	(pc) =	sbr.rel $0x88, $3  }
0x1: {  	(tag) =	ssettag $0x0;
	lr =	simm.s32 $0x1  }
0x2: {  	[smem:$0x3F9E] =	sst lr;
	_ =	strace $0xD0000000  }
0x3: {  	_ = 	snop  }
0x4: {  	_ = 	snop  }
0x5: {  	_ = 	snop  }
0x6: {  	_ = 	snop  }
0x7: {  	_ = 	snop  }
__scs_overlays_trampoline_lowered:
0x8: {  	[smem:$0x3FAD] =	sst s0  }
0x9: {  	[smem:$0x3FAE] =	sst s1  }
0xa: {  	[smem:$0x3FAF] =	sst s2  }
0xb: {  	[smem:$0x3FB0] =	sst s3  }
0xc: {  	[smem:$0x3FB1] =	sst s4  }
0xd: {  	[smem:$0x3FB2] =	sst s5  }
0xe: {  	[smem:$0x3FB3] =	sst s6  }
0xf: {  	[smem:$0x3FB4] =	sst s7  }
0x10: {  	[smem:$0x3FB5] =	sst s8  }
0x11: {  	[smem:$0x3FB6] =	sst s9;
	s0 =	simm.s32 @!p0 $0x0  }
0x12: {  	s1 =	sld [smem:$0x3F9C];
	s0 =	simm.s32 @p0 $0x1  }
0x13: {  	[smem:$0x3FB7] =	sst s0;
	s0 =	simm.s32 @!p1 $0x0  }
0x14: {  	s2 =	sld [smem:$0x3F9B];
	s0 =	simm.s32 @p1 $0x1  }
0x15: {  	[smem:$0x3FB8] =	sst s0;
	s0 =	simm.s32 @!p2 $0x0  }
0x16: {  	s3 =	sld [smem:$0x3FDB];
	s0 =	simm.s32 @p2 $0x1  }
0x17: {  	s4 =	simm.s32 $0x1BF5;
	[smem:$0x3FBA] =	sst s0  }
0x18: {  	s0 =	sld [smem:$0x3F9D];
	_ =	swait.ge [sflag:s4], $0x0  }
0x19: {  	s7 =	sld [smem:$0x3F9E]  }
0x1a: {  	s8 =	sadd.s32 $0xFFFFE003, lr  }
0x1b: {  	s9 =	sadd.s32 $0xFFFFFEF7, lr;
	s5 =	simm.s32 $0xFFFFFFFF;
	p2 =	slt.u32 s8, $0xFFFFF086  }
0x1c: {  	p1 =	slt.u32 s9, $0xF7A;
	s5 =	simm.s32 @!p2 $0x0  }
0x1d: {  	s5 =	simm.s32 @p1 $0x1;
	p0 =	seq.s32 s7, s2  }
0x1e: {  	s7 =	smul.u32 @!p0 $0xF7A, s2;
	p2 =	seq.s32 @!p0 s5, $0x0  }
0x1f: {  	s9 =	smul.u32 $0xF7A, s1;
	s8 =	simm.s32 @!p0 $0x1BF5;
	p2 =	por !p2, p0  }
0x20: {  	[sflag:s8] =	ssyncset.s32 @!p0 $0xFFFFF086;
	s6 =	sadd.s32 @!p0 s3, s7;
	s7 =	simm.s32 @!p0 $0x108  }
0x21: {  	s3 =	sadd.s32 s3, s9;
	s6 =	sadd.s32 @!p0 $0x88, s6;
	s7 =	simm.s32 @p2 $0x1082  }
0x22: {  	[simem:s7], [sflag:s8] =	dma.local @!p0 [hbm:s6], $0xF7A  }
0x23: {  	s9 =	sor.u32 $0xD0000000, s2;
	s6 =	simm.s32 $0x108;
	_ =	swait.ge @!p0 [sflag:s8], $0x0  }
0x24: {  	s3 =	sadd.s32 $0x88, s3;
	s6 =	simm.s32 @!p1 $0x1082;
	[sflag:s4] =	ssyncset.s32 $0xFFFFF086  }
0x25: {  	[simem:s6], [sflag:s4] =	dma.local [hbm:s3], $0xF7A  }
0x26: {  	[smem:$0x3F9E] =	sst s1;
	(tag) =	ssettag s2;
	_ =	strace s9  }
0x27: {  	s1 =	sld [smem:$0x3FAE]  }
0x28: {  	s2 =	sld [smem:$0x3FAF]  }
0x29: {  	s4 =	sld [smem:$0x3FB1]  }
0x2a: {  	p0 =	seq.s32 s5, $0x0;
	s5 =	sld [smem:$0x3FB2]  }
0x2b: {  	s6 =	sld [smem:$0x3FB3]  }
0x2c: {  	s7 =	sld [smem:$0x3FB4]  }
0x2d: {  	s3 =	simm.s32 $0x108;
	s8 =	sld [smem:$0x3FB5]  }
0x2e: {  	s3 =	simm.s32 @!p0 $0x1082;
	s9 =	sld [smem:$0x3FB6]  }
0x2f: {  	lr =	sadd.s32 s0, s3;
	s0 =	sld [smem:$0x3FAD]  }
0x30: {  	s3 =	sld [smem:$0x3FB0]  }
0x31: {  	[smem:$0x3FB9] =	sst s10  }
0x32: {  	s10 =	sld [smem:$0x3FB7];
	_ =	sdelay $0x3  }
0x33: {  	p0 =	seq.s32 s10, $0x1;
	s10 =	sld [smem:$0x3FB9];
	_ =	sdelay $0x3  }
0x34: {  	[smem:$0x3FB9] =	sst s10  }
0x35: {  	s10 =	sld [smem:$0x3FB8];
	_ =	sdelay $0x3  }
0x36: {  	p1 =	seq.s32 s10, $0x1;
	s10 =	sld [smem:$0x3FB9];
	_ =	sdelay $0x3  }
0x37: {  	[smem:$0x3FB9] =	sst s10  }
0x38: {  	s10 =	sld [smem:$0x3FBA]  }
0x39: {  	_ = 	snop;
	(pc) =	sbr.ind lr, $3  }
0x3a: {  	_ = 	snop  }
0x3b: {  	_ = 	snop  }
0x3c: {  	p2 =	seq.s32 s10, $0x1;
	s10 =	sld [smem:$0x3FB9]  }
0x3d: {  	_ =	shalt  }
0x3e: {  	_ =	shalt  }
0x3f: {  	_ =	shalt  }
0x40: {  	_ =	shalt  }
0x41: {  	_ =	shalt  }
0x42: {  	_ =	shalt  }
0x43: {  	_ =	shalt  }
0x44: {  	_ =	shalt  }
0x45: {  	_ =	shalt  }
0x46: {  	_ =	shalt  }
0x47: {  	_ =	shalt  }
0x48: {  	_ =	shalt  }
0x49: {  	_ =	shalt  }
0x4a: {  	_ =	shalt  }
0x4b: {  	_ =	shalt  }
0x4c: {  	_ =	shalt  }
0x4d: {  	_ =	shalt  }
0x4e: {  	_ =	shalt  }
0x4f: {  	_ =	shalt  }
0x50: {  	_ =	shalt  }
0x51: {  	_ =	shalt  }
0x52: {  	_ =	shalt  }
0x53: {  	_ =	shalt  }
0x54: {  	_ =	shalt  }
0x55: {  	_ =	shalt  }
0x56: {  	_ =	shalt  }
0x57: {  	_ =	shalt  }
0x58: {  	_ =	shalt  }
0x59: {  	_ =	shalt  }
0x5a: {  	_ =	shalt  }
0x5b: {  	_ =	shalt  }
0x5c: {  	_ =	shalt  }
0x5d: {  	_ =	shalt  }
0x5e: {  	_ =	shalt  }
0x5f: {  	_ =	shalt  }
0x60: {  	_ =	shalt  }
0x61: {  	_ =	shalt  }
0x62: {  	_ =	shalt  }
0x63: {  	_ =	shalt  }
0x64: {  	_ =	shalt  }
0x65: {  	_ =	shalt  }
0x66: {  	_ =	shalt  }
0x67: {  	_ =	shalt  }
0x68: {  	_ =	shalt  }
0x69: {  	_ =	shalt  }
0x6a: {  	_ =	shalt  }
0x6b: {  	_ =	shalt  }
0x6c: {  	_ =	shalt  }
0x6d: {  	_ =	shalt  }
0x6e: {  	_ =	shalt  }
0x6f: {  	_ =	shalt  }
0x70: {  	_ =	shalt  }
0x71: {  	_ =	shalt  }
0x72: {  	_ =	shalt  }
0x73: {  	_ =	shalt  }
0x74: {  	_ =	shalt  }
0x75: {  	_ =	shalt  }
0x76: {  	_ =	shalt  }
0x77: {  	_ =	shalt  }
0x78: {  	_ =	shalt  }
0x79: {  	_ =	shalt  }
0x7a: {  	_ =	shalt  }
0x7b: {  	_ =	shalt  }
0x7c: {  	_ =	shalt  }
0x7d: {  	_ =	shalt  }
0x7e: {  	_ =	shalt  }
0x7f: {  	_ =	shalt  }
0x80: {  	_ =	shalt  }
0x81: {  	_ =	shalt  }
0x82: {  	_ =	shalt  }
0x83: {  	_ =	shalt  }
0x84: {  	_ =	shalt  }
0x85: {  	_ =	shalt  }
0x86: {  	_ =	shalt  }
0x87: {  	_ =	shalt  }
.Lfunc_end0:
.L_simem_size_0:
called_computation_lowered:
.L_overlay_start_0:
0x88: {  	s2 =	sld [smem:$0x3FD9]  }
0x89: {  	s3 =	sld [smem:$0x3FFE];
	_ =	sdelay $0x1  }
0x8a: {  	s1 =	srdreg.scid  }
0x8b: {  	s0 =	sand.u32 $0x1, s1  }
0x8c: {  	s17 =	sshll.u32 s0, $0xA;
	s2 =	sadd.s32 s3, s2  }
0x8d: {  	s2 =	sadd.s32 s2, s17  }
0x8e: {  	[smem:$0x3FC5] =	sst s2  }
0x8f: {  	_ = 	snop  }
0x90: {  	s2 =	sld [smem:$0x3FC9]  }
0x91: {  	s18 =	sld [smem:$0x3FC8]  }
0x92: {  	s4 =	sld [smem:$0x3FD0];
	(tm) =	ssettm $0x1  }
0x93: {  	s5 =	sld [smem:$0x3FFB];
	_ =	sdelay $0x3  }
0x94: {  	_ =	strace s5  }
0x95: {  	s5 =	sld [smem:$0x3FFC];
	_ =	sdelay $0x3  }
0x96: {  	_ =	strace s5  }
0x97: {  	s5 =	sld [smem:$0x3FFD];
	_ =	sdelay $0x3  }
0x98: {  	_ =	strace s5  }
0x99: {  	_ =	strace $0x8FFFFFFF  }
0x9a: {  	s19 =	sld [smem:$0x3FDB];
	_ =	sdelay $0x1  }
0x9b: {  	s6 =	simm.s32 $_scs_section_size  }
0x9c: {  	s7 =	simm.s32 $_size__tile_overlayer_lowered;
	s8 =	simm.s32 $_tile_overlayer_lowered  }
0x9d: {  	s22 =	simm.s32 $0x1BFF;
	s21 =	sshll.u32 s8, $0x1;
	s5 =	sadd.s32 s6, s19  }
0x9e: {  	s9 =	simm.s32 $0x0;
	s20 =	sshll.u32 s7, $0x1;
	s7 =	sadd.s32 s21, s5  }
0x9f: {  	[timem:s9], [sflag:s22] =	dma.local [hbm:s7], s20  }
0xa0: {  	_ =	swait.ge [sflag:s22], s20  }
0xa1: {  	s6 =	ssub.s32 $0x0, s20;
	[sflag:s22] =	ssyncset.done $0x0  }
0xa2: {  	[sflag:s22] =	ssyncadd.s32 s6;
	_ =	sdelay $0x1  }
0xa3: {  	s23 =	simm.s32 $0x1B8B  }
0xa4: {  	_ =	swait.ge [sflag:s23], $0x1  }
0xa5: {  	[sflag:s23] =	ssyncset.done $0x0  }
0xa6: {  	s25 =	simm.s32 $0x1B8E;
	s24 =	sld [smem:$0x3FFE];
	[sflag:s23] =	ssyncadd.s32 $0xFFFFFFFF  }
0xa7: {  	s26 =	simm.s32 $execute0_lowered;
	[smem:$0x3FD2] =	sst s25  }
0xa8: {  	s7 =	sshll.u32 s26, $0x1;
	_ =	strace $0x80000046;
	[dreg:$0x1] =	wrdreg $0xFFFFFFFF  }
0xa9: {  	s28 =	simm.s32 $_size_execute0_lowered;
	s5 =	sadd.s32 s5, s7;
	[dreg:$0x0] =	wrdreg $0x0  }
0xaa: {  	s7 =	sshll.u32 s28, $0x1;
	[dreg:$0x2] =	wrdreg s5  }
0xab: {  	[dreg:$0x3] =	wrdreg s7  }
0xac: {  	[dreg:$0x4] =	wrdreg $0xC0  }
0xad: {  	_ =	task [dreg:s9], $0x5FFFF  }
0xae: {  	[dreg:$0x1] =	wrdreg $0xFFFFFFFF  }
0xaf: {  	[dreg:$0x0] =	wrdreg $0x60  }
0xb0: {  	[dreg:$0x2] =	wrdreg s2  }
0xb1: {  	[dreg:$0x3] =	wrdreg s18  }
0xb2: {  	[dreg:$0x4] =	wrdreg s24  }
0xb3: {  	[dreg:$0x5] =	wrdreg s4  }
0xb4: {  	[dreg:$0x6] =	wrdreg $0x9  }
0xb5: {  	_ =	task.clear_ibuf [dreg:s9], $0x7FFFF;
	_ =	strace $0x90000046  }
0xb6: {  	s29 =	simm.s32 $0x9;
	_ =	strace $0x80000048  }
0xb7: {  	_ =	swait.ge [sflag:s29], $0x1  }
0xb8: {  	[sflag:s29] =	ssyncadd.s32 $0xFFFFFFFF  }
0xb9: {  	_ =	strace $0x90000048  }
0xba: {  	_ =	sfence  }
0xbb: {  	s30 =	sld [smem:$0x0];
	_ =	sdelay $0x2  }
0xbc: {  	s31 =	sshll.u32 s1, $0xD;
	s1 =	sshrl.u32 s1, $0x2  }
0xbd: {  	s3 =	sand.u32 $0x4000, s31;
	s1 =	sadd.s32 s1, s30  }
0xbe: {  	s0 =	sor.u32 s3, s0;
	s1 =	sshll.u32 s1, $0x11  }
0xbf: {  	s0 =	sor.u32 s1, s0  }
0xc0: {  	s0 =	sadd.s32 $0x8F2B, s0  }
0xc1: {  	[sflag:s0] =	ssyncadd.remote.s32 $0x1  }
0xc2: {  	_ =	sfence.sel $0xFFFF  }
0xc3: {  	[dreg:$0x0] =	wrdreg $0xFFFFFFFF;
	(pc) =	sbr.abs _section_cstart, $3  }
0xc4: {  	[dreg:$0x1] =	wrdreg $0xFFFFFFFF  }
0xc5: {  	_ =	task.clear_ibuf [dreg:s9], $0x2FFFF;
	_ =	strace $0x9FFFFFFF  }
0xc6: {  	(tm) =	ssettm $0x7FFFFFFF  }
0xc7: {  	_ =	shalt  }
tec
execute0_lowered:
.L_overlay_start_1:
0x0: {  	(tag) =	ssettag $0x1  }
0x1: {  	s3 =	rddreg [dreg:$0x0]  }
0x2: {  	s4 =	rddreg [dreg:$0x1]  }
0x3: {  	s5 =	rddreg [dreg:$0x2]  }
0x4: {  	s6 =	rddreg [dreg:$0x3]  }
0x5: {  	s1 =	stileid.u32;
	s0 =	rddreg [dreg:$0x4];
	s2 =	simm.s32 $0x0  }
0x6: {  	s10 =	srdreg.scid;
	s12 =	simm.s32 $0x800;
	s13 =	simm.s32 $0x1000  }
0x7: {  	s14 =	simm.s32 $0x2;
	s15 =	simm.s32 $0x1;
	s16 =	simm.s32 $0x1480  }
0x8: {  	s17 =	simm.s32 $0x3;
	s18 =	simm.s32 $0x1900;
	s19 =	simm.s32 $0x4  }
0x9: {  	s20 =	simm.s32 $0x0;
	s7 =	sshrl.u32 s1, $0x3;
	s8 =	sshll.u32 s1, $0x7  }
0xa: {  	[smem:$0x7FF] =	sst s2;
	s10 =	sand.u32 $0x1, s10;
	s9 =	smul.u32 $0x2400, s7  }
0xb: {  	s8 =	sand.u32 $0x380, s8;
	_ =	strace $0x80000047;
	s11 =	ssub.s32 $0x2, s10  }
0xc: {  	s7 =	sshll.u32 s7, $0xE;
	s30 =	sshll.u32 s10, $0xD;
	s31 =	sshll.u32 s10, $0xA  }
0xd: {  	s10 =	simm.s32 $0x80;
	s26 =	sshrl.u32 s11, $0x1;
	s7 =	sor.u32 s8, s7  }
0xe: {  	s9 =	sor.u32 s8, s9;
	s28 =	ssub.s32 s11, s26;
	s29 =	sshrl.u32 s7, $0x3  }
0xf: {  	s7 =	sor.u32 s30, s7;
	s8 =	sor.u32 $0x40, s31;
	s11 =	simm.s32 $0x400  }
0x10: {  	s9 =	sshrl.u32 s9, $0x3;
	s3 =	sadd.s32 s3, s29;
	s7 =	sshrl.u32 s7, $0x3  }
0x11: {  	s4 =	sadd.s32 s4, s29;
	s5 =	sadd.s32 s9, s5;
	s6 =	sadd.s32 s6, s7  }
0x12: {  	v0 =	vimm.f32 $0.0e+00;
	s7 =	smax.u32 s28, $0x1;
	s9 =	sor.u32 $0x840, s31;
	s5 =	sadd.s32 $0x400, s5  }
.LBB2_1:
0x13: {  	[tilespmem:s2], [sflag:$0x1] =	stream.strided.gather [hbm4b:s3+s10], $0x800, s11, s10, $0x38;
	[tilespmem:$0x1D00] =	vst v63  }
0x14: {  	_ = 	snop  }
0x15: {  	[tilespmem:s12], [sflag:$0x2] =	stream.strided.gather [hbm4b:s4+s10], $0x800, s11, s10, $0x38;
	[tilespmem:$0x1D00] =	vst v63  }
0x16: {  	s21 =	simm.s32 $0x14C0  }
0x17: {  	[tilespmem:s13], [sflag:$0x3] =	stream.strided.gather [hbm4b:s5+s10], $0x480, s11, s10, $0x38;
	[tilespmem:$0x1D00] =	vst v63  }
0x18: {  	[tilespmem:s21+$0xFFFFFFC0] =	vst v0  }
0x19: {  	[tilespmem:s21+$0x30] =	vst v0  }
0x1a: {  	[tilespmem:s21+$0x20] =	vst v0  }
0x1b: {  	[tilespmem:s21+$0x10] =	vst v0  }
0x1c: {  	[tilespmem:s21+$0x0] =	vst v0  }
0x1d: {  	[tilespmem:s21+$0xFFFFFFF0] =	vst v0  }
0x1e: {  	s22 =	simm.s32 $0x0;
	[tilespmem:s21+$0xFFFFFFE0] =	vst v0  }
.LBB2_2:
0x1f: {  	s22 =	sadd.s32 $0x8, s22;
	[tilespmem:s21+$0xFFFFFFD0] =	vst v0;
	s21 =	sadd.s32 $0x80, s21  }
0x20: {  	[tilespmem:s21+$0xFFFFFFC0] =	vst v0;
	p0 =	slt.u32 s22, $0x40  }
0x21: {  	[tilespmem:s21+$0x30] =	vst v0  }
.Ltmp0:
0x22: {  	[tilespmem:s21+$0x20] =	vst v0;
	(pc) =	sbr.rel @p0 .LBB2_2-.Ltmp0, $4  }
0x23: {  	[tilespmem:s21+$0x10] =	vst v0  }
0x24: {  	[tilespmem:s21+$0x0] =	vst v0  }
0x25: {  	[tilespmem:s21+$0xFFFFFFF0] =	vst v0  }
0x26: {  	[tilespmem:s21+$0xFFFFFFE0] =	vst v0  }
0x27: {  	[tilespmem:s21+$0xFFFFFFD0] =	vst v0  }
0x28: {  	_ =	swait.ge [sflag:s14], $0x800  }
0x29: {  	[sflag:s14] =	ssyncset.done $0x0  }
0x2a: {  	[sflag:s14] =	ssyncadd.s32 $0xFFFFF800  }
0x2b: {  	_ =	swait.ge [sflag:s15], $0x800  }
0x2c: {  	[sflag:s15] =	ssyncset.done $0x0  }
0x2d: {  	s22 =	simm.s32 $0x840;
	[sflag:s15] =	ssyncadd.s32 $0xFFFFF800  }
0x2e: {  	v1 =	vld [tilespmem:s22+$0x30]  }
0x2f: {  	v2 =	vld [tilespmem:s22+$0xFFFFFFD0]  }
0x30: {  	s21 =	simm.s32 $0x40;
	v3 =	vld [tilespmem:s22+$0xFFFFFFE0]  }
0x31: {  	v4 =	vld [tilespmem:s21+$0x30]  }
0x32: {  	v5 =	vld [tilespmem:s22+$0xFFFFFFF0]  }
0x33: {  	v6 =	vld [tilespmem:s22+$0x0]  }
0x34: {  	v7 =	vld [tilespmem:s22+$0x10]  }
0x35: {  	v8 =	vld [tilespmem:s22+$0x20]  }
0x36: {  	v63 =	vld [tilespmem:s21+$0xFFFFFFC0]  }
0x37: {  	v9 =	vld [tilespmem:s21+$0xFFFFFFD0]  }
0x38: {  	v10 =	vld [tilespmem:s21+$0xFFFFFFE0]  }
0x39: {  	v11 =	vld [tilespmem:s21+$0xFFFFFFF0]  }
0x3a: {  	v12 =	vld [tilespmem:s21+$0x0]  }
0x3b: {  	v13 =	vld [tilespmem:s21+$0x10]  }
0x3c: {  	[tilespmem:v1+s16+$0x0] =	vst.idx.add.f32.msk $0xffff, v4  }
0x3d: {  	v1 =	vld [tilespmem:s22+$0xFFFFFFC0]  }
0x3e: {  	v14 =	vld [tilespmem:s21+$0x20]  }
0x3f: {  	[tilespmem:v2+s16+$0x0] =	vst.idx.add.f32.msk $0xffff, v9  }
0x40: {  	[tilespmem:v3+s16+$0x0] =	vst.idx.add.f32.msk $0xffff, v10  }
0x41: {  	[tilespmem:v5+s16+$0x0] =	vst.idx.add.f32.msk $0xffff, v11  }
0x42: {  	[tilespmem:v6+s16+$0x0] =	vst.idx.add.f32.msk $0xffff, v12  }
0x43: {  	[tilespmem:v7+s16+$0x0] =	vst.idx.add.f32.msk $0xffff, v13  }
0x44: {  	[tilespmem:v8+s16+$0x0] =	vst.idx.add.f32.msk $0xffff, v14  }
0x45: {  	s23 =	simm.s32 $0x8C0;
	s22 =	simm.s32 $0x0;
	[tilespmem:v1+s16+$0x0] =	vst.idx.add.f32.msk $0xffff, v63  }
.LBB2_4:
0x46: {  	v1 =	vld [tilespmem:s23+$0x30];
	s22 =	sadd.s32 $0x8, s22  }
0x47: {  	v2 =	vld [tilespmem:s23+$0xFFFFFFD0];
	p0 =	slt.u32 s22, $0x78  }
0x48: {  	s21 =	sadd.s32 $0x80, s21;
	v3 =	vld [tilespmem:s23+$0xFFFFFFE0]  }
0x49: {  	v4 =	vld [tilespmem:s21+$0x30]  }
0x4a: {  	v5 =	vld [tilespmem:s23+$0xFFFFFFF0]  }
0x4b: {  	v6 =	vld [tilespmem:s23+$0x0]  }
0x4c: {  	v7 =	vld [tilespmem:s23+$0x10]  }
0x4d: {  	v8 =	vld [tilespmem:s23+$0x20]  }
0x4e: {  	[tilespmem:v1+s16+$0x0] =	vst.idx.add.f32.msk $0xffff, v4  }
0x4f: {  	v1 =	vld [tilespmem:s23+$0xFFFFFFC0]  }
0x50: {  	v4 =	vld [tilespmem:s21+$0xFFFFFFC0]  }
0x51: {  	v9 =	vld [tilespmem:s21+$0xFFFFFFD0]  }
0x52: {  	v10 =	vld [tilespmem:s21+$0xFFFFFFE0]  }
0x53: {  	v11 =	vld [tilespmem:s21+$0xFFFFFFF0]  }
0x54: {  	v12 =	vld [tilespmem:s21+$0x0]  }
0x55: {  	v13 =	vld [tilespmem:s21+$0x10]  }
0x56: {  	v14 =	vld [tilespmem:s21+$0x20]  }
0x57: {  	[tilespmem:v1+s16+$0x0] =	vst.idx.add.f32.msk $0xffff, v4  }
0x58: {  	[tilespmem:v2+s16+$0x0] =	vst.idx.add.f32.msk $0xffff, v9  }
.Ltmp1:
0x59: {  	[tilespmem:v3+s16+$0x0] =	vst.idx.add.f32.msk $0xffff, v10;
	(pc) =	sbr.rel @p0 .LBB2_4-.Ltmp1, $4  }
0x5a: {  	[tilespmem:v5+s16+$0x0] =	vst.idx.add.f32.msk $0xffff, v11  }
0x5b: {  	[tilespmem:v6+s16+$0x0] =	vst.idx.add.f32.msk $0xffff, v12  }
0x5c: {  	[tilespmem:v7+s16+$0x0] =	vst.idx.add.f32.msk $0xffff, v13  }
0x5d: {  	s23 =	sadd.s32 $0x80, s23;
	[tilespmem:v8+s16+$0x0] =	vst.idx.add.f32.msk $0xffff, v14  }
0x5e: {  	_ =	swait.ge [sflag:s17], $0x480  }
0x5f: {  	[sflag:s17] =	ssyncset.done $0x0  }
0x60: {  	[sflag:s17] =	ssyncadd.s32 $0xFFFFFB80  }
0x61: {  	v2 =	vld [tilespmem:s9+$0x30]  }
0x62: {  	v3 =	vld [tilespmem:s9+$0xFFFFFFD0]  }
0x63: {  	v4 =	vld [tilespmem:s9+$0xFFFFFFE0]  }
0x64: {  	v5 =	vld [tilespmem:s9+$0xFFFFFFF0]  }
0x65: {  	v6 =	vld [tilespmem:s9+$0x0]  }
0x66: {  	v7 =	vld [tilespmem:s9+$0x10]  }
0x67: {  	v8 =	vld [tilespmem:s9+$0x20]  }
0x68: {  	v1 =	vld [tilespmem:s9+$0xFFFFFFC0]  }
0x69: {  	v9 =	vld.idx.msk [tilespmem:v2+s16+$0x0], $0xffff;
	_ =	sdelay $0x1  }
0x6a: {  	v10 =	vld.idx.msk [tilespmem:v3+s16+$0x0], $0xffff  }
0x6b: {  	v11 =	vld.idx.msk [tilespmem:v4+s16+$0x0], $0xffff  }
0x6c: {  	v12 =	vld.idx.msk [tilespmem:v5+s16+$0x0], $0xffff  }
0x6d: {  	v13 =	vld.idx.msk [tilespmem:v6+s16+$0x0], $0xffff;
	v9 =	vmax.f32 v9, $9.999999740e-06  }
0x6e: {  	v14 =	vld.idx.msk [tilespmem:v7+s16+$0x0], $0xffff;
	(erf) = vrcp.f32 v9  }
0x6f: {  	v16 =	vld.idx.msk [tilespmem:v1+s16+$0x0], $0xffff;
	v10 =	vmax.f32 v10, $9.999999740e-06  }
0x70: {  	v15 =	vld.idx.msk [tilespmem:v8+s16+$0x0], $0xffff;
	v9 =	vmax.f32 v11, $9.999999740e-06;
	(erf) = vrcp.f32 v10  }
0x71: {  	v10 =	vld.idx.msk [tilespmem:v3+s13+$0x0], $0xffff;
	v3 =	vmax.f32 v12, $9.999999740e-06;
	(erf) = vrcp.f32 v9  }
0x72: {  	v9 =	vld.idx.msk [tilespmem:v4+s13+$0x0], $0xffff;
	v4 =	vmax.f32 v13, $9.999999740e-06;
	(erf) = vrcp.f32 v3  }
0x73: {  	v11 =	vld.idx.msk [tilespmem:v2+s13+$0x0], $0xffff;
	v3 =	vmax.f32 v14, $9.999999740e-06;
	(erf) = vrcp.f32 v4  }
0x74: {  	v1 =	vld.idx.msk [tilespmem:v1+s13+$0x0], $0xffff;
	(erf) = vrcp.f32 v3;
	v3 =	vmax.f32 v16, $9.999999740e-06  }
0x75: {  	v2 =	vmax.f32 v15, $9.999999740e-06;
	v4 =	vld [tilespmem:s8+$0x30]  }
0x76: {  	v5 =	vld.idx.msk [tilespmem:v5+s13+$0x0], $0xffff;
	(erf) = vrcp.f32 v2  }
0x77: {  	v6 =	vld.idx.msk [tilespmem:v6+s13+$0x0], $0xffff;
	(erf) = vrcp.f32 v3;
	v3 =	vpop (erf)  }
0x78: {  	v14 =	vld.idx.msk [tilespmem:v8+s13+$0x0], $0xffff;
	v8 =	vmul.f32 v3, v11  }
0x79: {  	v7 =	vld.idx.msk [tilespmem:v7+s13+$0x0], $0xffff;
	v11 =	vpop (erf)  }
0x7a: {  	v13 =	vld [tilespmem:s8+$0xFFFFFFD0];
	v12 =	vpop (erf);
	v8 =	vmul.f32 v8, v4  }
0x7b: {  	v2 =	vld [tilespmem:s8+$0xFFFFFFC0];
	v15 =	vpop (erf)  }
0x7c: {  	v3 =	vld [tilespmem:s8+$0xFFFFFFE0];
	v16 =	vmul.f32 v11, v10;
	v10 =	vmul.f32 v15, v5;
	v15 =	vadd.f32 $1.258291200e+07, v8  }
0x7d: {  	v4 =	vld [tilespmem:s8+$0xFFFFFFF0];
	v11 =	vpop (erf)  }
0x7e: {  	v12 =	vmul.f32 v12, v9;
	v5 =	vld [tilespmem:s8+$0x0];
	v8 =	vpop (erf)  }
0x7f: {  	s21 =	simm.s32 $0x1940;
	v13 =	vmul.f32 v16, v13;
	v11 =	vmul.f32 v11, v6;
	v6 =	vld [tilespmem:s8+$0x10];
	v9 =	vpop (erf)  }
0x80: {  	s22 =	simm.s32 $0x0;
	s23 =	sadd.s32 $0x80, s9;
	s24 =	smov.u32 s8;
	v8 =	vmul.f32 v8, v7;
	v7 =	vld [tilespmem:s8+$0x20];
	v9 =	vmul.f32 v9, v14;
	v14 =	vadd.s32 $0xB4C00000, v15;
	v15 =	vpop (erf)  }
.LBB2_6:
0x81: {  	v16 =	vld [tilespmem:s23+$0x30];
	s22 =	sadd.s32 $0x8, s22;
	v1 =	vmul.f32 v15, v1;
	v3 =	vmul.f32 v12, v3;
	[tilespmem:s21+$0x30] =	vst v14  }
0x82: {  	v12 =	vld [tilespmem:s23+$0xFFFFFFD0];
	p0 =	slt.u32 s22, $0x38;
	v13 =	vadd.f32 $1.258291200e+07, v13;
	v4 =	vmul.f32 v10, v4  }
0x83: {  	v10 =	vld [tilespmem:s23+$0xFFFFFFE0];
	v1 =	vmul.f32 v1, v2;
	v2 =	vadd.f32 $1.258291200e+07, v3;
	v3 =	vmul.f32 v11, v5  }
0x84: {  	v5 =	vld [tilespmem:s23+$0xFFFFFFF0];
	v11 =	vadd.s32 $0xB4C00000, v13;
	v4 =	vadd.f32 $1.258291200e+07, v4;
	v6 =	vmul.f32 v8, v6  }
0x85: {  	v8 =	vld [tilespmem:s23+$0x0];
	v1 =	vadd.f32 $1.258291200e+07, v1;
	[tilespmem:s21+$0xFFFFFFD0] =	vst v11;
	v3 =	vadd.f32 $1.258291200e+07, v3;
	v7 =	vmul.f32 v9, v7  }
0x86: {  	v2 =	vadd.s32 $0xB4C00000, v2;
	v9 =	vld [tilespmem:s23+$0x10];
	v4 =	vadd.s32 $0xB4C00000, v4;
	v6 =	vadd.f32 $1.258291200e+07, v6  }
0x87: {  	v11 =	vld [tilespmem:s23+$0x20];
	v1 =	vadd.s32 $0xB4C00000, v1;
	[tilespmem:s21+$0xFFFFFFE0] =	vst v2;
	v2 =	vadd.s32 $0xB4C00000, v3;
	v3 =	vadd.f32 $1.258291200e+07, v7  }
0x88: {  	v7 =	vld [tilespmem:s23+$0xFFFFFFC0];
	[tilespmem:s21+$0xFFFFFFC0] =	vst v1;
	v1 =	vadd.s32 $0xB4C00000, v6  }
0x89: {  	v6 =	vld.idx.msk [tilespmem:v16+s16+$0x0], $0xffff;
	[tilespmem:s21+$0xFFFFFFF0] =	vst v4;
	v3 =	vadd.s32 $0xB4C00000, v3  }
0x8a: {  	v4 =	vld.idx.msk [tilespmem:v12+s16+$0x0], $0xffff;
	[tilespmem:s21+$0x0] =	vst v2  }
0x8b: {  	v2 =	vld.idx.msk [tilespmem:v10+s16+$0x0], $0xffff;
	[tilespmem:s21+$0x10] =	vst v1  }
0x8c: {  	v13 =	vld.idx.msk [tilespmem:v5+s16+$0x0], $0xffff;
	[tilespmem:s21+$0x20] =	vst v3  }
0x8d: {  	v3 =	vld.idx.msk [tilespmem:v8+s16+$0x0], $0xffff  }
0x8e: {  	v14 =	vld.idx.msk [tilespmem:v9+s16+$0x0], $0xffff  }
0x8f: {  	v1 =	vmax.f32 v6, $9.999999740e-06;
	v15 =	vld.idx.msk [tilespmem:v11+s16+$0x0], $0xffff  }
0x90: {  	v4 =	vmax.f32 v4, $9.999999740e-06;
	v6 =	vld.idx.msk [tilespmem:v7+s16+$0x0], $0xffff;
	(erf) = vrcp.f32 v1  }
0x91: {  	v2 =	vmax.f32 v2, $9.999999740e-06;
	v1 =	vld.idx.msk [tilespmem:v7+s13+$0x0], $0xffff;
	(erf) = vrcp.f32 v4  }
0x92: {  	v7 =	vmax.f32 v13, $9.999999740e-06;
	v4 =	vld.idx.msk [tilespmem:v12+s13+$0x0], $0xffff;
	(erf) = vrcp.f32 v2  }
0x93: {  	v2 =	vmax.f32 v3, $9.999999740e-06;
	v10 =	vld.idx.msk [tilespmem:v10+s13+$0x0], $0xffff;
	(erf) = vrcp.f32 v7  }
0x94: {  	v3 =	vmax.f32 v14, $9.999999740e-06;
	v7 =	vld.idx.msk [tilespmem:v16+s13+$0x0], $0xffff;
	(erf) = vrcp.f32 v2  }
0x95: {  	v2 =	vmax.f32 v15, $9.999999740e-06;
	v5 =	vld.idx.msk [tilespmem:v5+s13+$0x0], $0xffff;
	(erf) = vrcp.f32 v3  }
0x96: {  	s24 =	sadd.s32 $0x80, s24;
	v3 =	vmax.f32 v6, $9.999999740e-06;
	v6 =	vld.idx.msk [tilespmem:v8+s13+$0x0], $0xffff;
	(erf) = vrcp.f32 v2  }
0x97: {  	v8 =	vld [tilespmem:s24+$0x30];
	(erf) = vrcp.f32 v3  }
0x98: {  	v9 =	vld.idx.msk [tilespmem:v9+s13+$0x0], $0xffff  }
0x99: {  	v14 =	vld.idx.msk [tilespmem:v11+s13+$0x0], $0xffff;
	v3 =	vpop (erf)  }
0x9a: {  	v2 =	vld [tilespmem:s24+$0xFFFFFFC0];
	v7 =	vmul.f32 v3, v7;
	v3 =	vpop (erf)  }
0x9b: {  	v13 =	vld [tilespmem:s24+$0xFFFFFFD0];
	v15 =	vmul.f32 v3, v4;
	v4 =	vpop (erf)  }
.Ltmp2:
0x9c: {  	v3 =	vld [tilespmem:s24+$0xFFFFFFE0];
	v12 =	vmul.f32 v4, v10;
	v17 =	vmul.f32 v7, v8;
	v8 =	vpop (erf);
	(pc) =	sbr.rel @p0 .LBB2_6-.Ltmp2, $4  }
0x9d: {  	v4 =	vld [tilespmem:s24+$0xFFFFFFF0];
	v10 =	vmul.f32 v8, v5;
	v8 =	vpop (erf)  }
0x9e: {  	v5 =	vld [tilespmem:s24+$0x0];
	v11 =	vmul.f32 v8, v6;
	v16 =	vadd.f32 $1.258291200e+07, v17;
	v7 =	vpop (erf)  }
0x9f: {  	v6 =	vld [tilespmem:s24+$0x10];
	v8 =	vmul.f32 v7, v9;
	v9 =	vpop (erf)  }
0xa0: {  	s23 =	sadd.s32 $0x80, s23;
	s21 =	sadd.s32 $0x80, s21;
	v13 =	vmul.f32 v15, v13;
	v7 =	vld [tilespmem:s24+$0x20];
	v9 =	vmul.f32 v9, v14;
	v14 =	vadd.s32 $0xB4C00000, v16;
	v15 =	vpop (erf)  }
0xa1: {  	v1 =	vmul.f32 v15, v1  }
0xa2: {  	v3 =	vmul.f32 v12, v3  }
0xa3: {  	v59 =	vadd.f32 $1.258291200e+07, v13;
	v1 =	vmul.f32 v1, v2  }
0xa4: {  	v2 =	vmul.f32 v10, v4;
	v3 =	vadd.f32 $1.258291200e+07, v3  }
0xa5: {  	[tilespmem:s21+$0x30] =	vst v14;
	v60 =	vmul.f32 v11, v5;
	v61 =	vadd.s32 $0xB4C00000, v59;
	v1 =	vadd.f32 $1.258291200e+07, v1  }
0xa6: {  	v6 =	vmul.f32 v8, v6;
	v2 =	vadd.f32 $1.258291200e+07, v2;
	[tilespmem:s21+$0xFFFFFFD0] =	vst v61;
	v3 =	vadd.s32 $0xB4C00000, v3  }
0xa7: {  	v4 =	vadd.f32 $1.258291200e+07, v60;
	v62 =	vmul.f32 v9, v7;
	[tilespmem:s21+$0xFFFFFFE0] =	vst v3;
	v1 =	vadd.s32 $0xB4C00000, v1  }
0xa8: {  	v3 =	vadd.f32 $1.258291200e+07, v6;
	v2 =	vadd.s32 $0xB4C00000, v2;
	[tilespmem:s21+$0xFFFFFFC0] =	vst v1  }
0xa9: {  	v63 =	vadd.f32 $1.258291200e+07, v62;
	v1 =	vadd.s32 $0xB4C00000, v4;
	[tilespmem:s21+$0xFFFFFFF0] =	vst v2  }
0xaa: {  	s20 =	sadd.s32 $0x1, s20;
	v2 =	vadd.s32 $0xB4C00000, v3;
	[tilespmem:s21+$0x0] =	vst v1  }
0xab: {  	p0 =	sne.s32 s20, s7;
	v1 =	vadd.s32 $0xB4C00000, v63;
	[tilespmem:s21+$0x10] =	vst v2  }
.Ltmp3:
0xac: {  	[tilespmem:s21+$0x20] =	vst v1;
	(pc) =	sbr.rel @p0 .LBB2_1-.Ltmp3, $4  }
0xad: {  	[hbm4b:s6+s10] =	stream.strided.scatter [tilespmem:s18], [sflag:$0x4], $0x400, s11, s10, $0x38;
	[tilespmem:$0x1D00] =	vst v63  }
0xae: {  	_ =	swait.ge [sflag:s19], $0x400  }
0xaf: {  	[sflag:s19] =	ssyncset.done $0x0  }
0xb0: {  	[sflag:s19] =	ssyncadd.s32 $0xFFFFFC00  }
0xb1: {  	_ =	sfence.sel $0x180000  }
0xb2: {  	[bflag:$0x0] =	sbarrier.arrive $0xFFFF  }
0xb3: {  	p0 =	sne.s32 s1, $0x0;
	_ =	strace $0x90000047  }
0xb4: {  	s0 =	sadd.s32 @!p0 $0x100000, s0;
	[bflag:$0x2] =	sbarrier.arrive $0xFFFF  }
0xb5: {  	[sflag:s0] =	ssyncadd.tile.s32 @!p0 $0x1;
	_ =	shalt  }
.Lfunc_end2:
_tile_overlayer_lowered:
.L_overlay_start_2:
0xb6: {  	(tag) =	ssettag $0x2  }
0xb7: {  	s0 =	rddreg [dreg:$0x0];
	s2 =	stileid.u32  }
0xb8: {  	s1 =	rddreg [dreg:$0x1];
	p0 =	sne.s32 s2, $0x0  }
0xb9: {  	s3 =	rddreg [dreg:$0x2];
	[bflag:$0x3] =	sbarrier.arrive $0xFFFF;
	s2 =	simm.s32 @!p0 $0x1C04  }
0xba: {  	[timem:s3], [sflag:s2] =	dma.local @!p0 [hbm:s0], s1  }
0xbb: {  	s0 =	simm.s32 @!p0 $0x4  }
0xbc: {  	_ =	swait.ge @!p0 [sflag:s0], s1  }
0xbd: {  	s1 =	ssub.s32 @!p0 $0x0, s1;
	[sflag:s0] =	ssyncset.done @!p0 $0x0  }
0xbe: {  	[sflag:s0] =	ssyncadd.s32 @!p0 s1  }
0xbf: {  	[bflag:$0x3] =	sbarrier.arrive $0xFFFF  }
0xc0: {  	_ =	shalt  }

</sc_bundles>
